<compile_context>
chip_gen: v7x
topology: tpu7x:2x2x1
jax: 0.10.2.dev20260603
libtpu: 0.0.44.dev20260713+nightly
codegen_flags: <defaults>
</compile_context>

<pallas_src>
import functools

import jax
import jax.numpy as jnp
from jax import lax
from jax.experimental import pallas as pl
from jax.experimental.pallas import tpu as pltpu
from jax.experimental.pallas import tpu_sc as plsc

_Z = 64
_K = 1024
_N = 6272
_BN = 896
_NPAD = 6656
_NW = 32
_KH = _K + 8
_W = 128
_BETA = 0.25


def _conv(x, w, b, stride, pad):
    y = lax.conv_general_dilated(
        x, w, (stride, stride), [(pad, pad), (pad, pad)],
        dimension_numbers=('NCHW', 'OIHW', 'NCHW'))
    return y + b[None, :, None, None]


def _conv_t(x, w, b, stride, pad):
    k = w.shape[2]
    wt = jnp.flip(w, (2, 3)).transpose(1, 0, 2, 3)
    y = lax.conv_general_dilated(
        x, wt, (1, 1), [(k - 1 - pad, k - 1 - pad), (k - 1 - pad, k - 1 - pad)],
        lhs_dilation=(stride, stride), dimension_numbers=('NCHW', 'OIHW', 'NCHW'))
    return y + b[None, :, None, None]


def _res(x, w1, b1, w2, b2):
    out = jax.nn.relu(_conv(x, w1, b1, 1, 1))
    out = _conv(out, w2, b2, 1, 1)
    return jax.nn.relu(out + x)


def _colsum64(s):
    t = s[0:8, :]
    for j in range(1, 8):
        t = t + s[8 * j:8 * j + 8, :]
    t = t[0:4, :] + t[4:8, :]
    t = t[0:2, :] + t[2:4, :]
    return t[0:1, :] + t[1:2, :]


def _vq_core_body(e_ref, cb_ref, cbt_ref, zq_ref, idx_ref, vq_ref):
    e = e_ref[...]
    cb = cb_ref[...]
    cbt = cbt_ref[...]
    en2 = jnp.sum(e ** 2, axis=1, keepdims=True)
    c2 = _colsum64(cbt * cbt)
    m = lax.dot_general(e, cb, (((1,), (1,)), ((), ())),
                        preferred_element_type=jnp.float32)
    dist = jnp.sqrt(jnp.maximum(en2 + c2 - 2.0 * m, 0.0))
    mn = jnp.min(dist, axis=1, keepdims=True)
    ids = lax.broadcasted_iota(jnp.int32, dist.shape, 1)
    idx = jnp.min(jnp.where(dist == mn, ids, _K), axis=1, keepdims=True)
    idx_ref[...] = idx
    oh = (ids == idx).astype(jnp.float32)
    q = lax.dot_general(oh, cb, (((1,), (0,)), ((), ())),
                        preferred_element_type=jnp.float32)
    en = jnp.sqrt(en2)
    qn = jnp.sqrt(jnp.sum(q * q, axis=1, keepdims=True))
    e_nrm = e / jnp.maximum(en, 1e-12)
    c_nrm = q / jnp.maximum(qn, 1e-12)
    v = e_nrm - c_nrm
    vn = jnp.sqrt(jnp.sum(v * v, axis=1, keepdims=True))
    w = (vn > 1e-5).astype(jnp.float32)
    v = w * (v / (vn + 1e-5)) + (1.0 - w) * v
    zqt = e - 2.0 * v * jnp.sum(v * e, axis=1, keepdims=True)
    zq_ref[...] = zqt
    diff = e - q

    @pl.when(pl.program_id(0) == 0)
    def _init():
        vq_ref[...] = jnp.zeros_like(vq_ref)

    vq_ref[...] += jnp.full((1, 1), jnp.sum(diff * diff))


def _vq_core(e_flat, codebook):
    zq, idx, vq = pl.pallas_call(
        _vq_core_body,
        grid=(_N // _BN,),
        in_specs=[
            pl.BlockSpec((_BN, _Z), lambda i: (i, 0)),
            pl.BlockSpec((_K, _Z), lambda i: (0, 0)),
            pl.BlockSpec((_Z, _K), lambda i: (0, 0)),
        ],
        out_specs=[
            pl.BlockSpec((_BN, _Z), lambda i: (i, 0)),
            pl.BlockSpec((_BN, 1), lambda i: (i, 0)),
            pl.BlockSpec((1, 1), lambda i: (0, 0)),
        ],
        out_shape=[
            jax.ShapeDtypeStruct((_N, _Z), jnp.float32),
            jax.ShapeDtypeStruct((_N, 1), jnp.int32),
            jax.ShapeDtypeStruct((1, 1), jnp.float32),
        ],
    )(e_flat, codebook, codebook.T)
    return zq, idx[:, 0], vq / float(_N * _Z)


def _sc_body(idxh_hbm, ones_hbm, zeros_hbm, cnt_hbm, idxh_v, ones_v, shared,
             sem):
    cid = lax.axis_index("c")
    sid = lax.axis_index("s")
    wid = sid * 2 + cid
    pltpu.sync_copy(idxh_hbm.at[pl.ds(2 * wid, 2)], idxh_v)
    pltpu.sync_copy(ones_hbm, ones_v)

    @pl.when(sid == 0)
    def _zero():
        pltpu.sync_copy(zeros_hbm, shared)
    plsc.subcore_barrier()
    pltpu.sync_copy(ones_v.at[0], shared.at[idxh_v.at[0]], add=True)
    pltpu.sync_copy(ones_v.at[1], shared.at[idxh_v.at[1]], add=True)
    plsc.subcore_barrier()

    @pl.when(sid == 0)
    def _writeback():
        pltpu.sync_copy(shared, cnt_hbm.at[cid])


def _sc_hist(idx_hist):
    mesh = plsc.VectorSubcoreMesh(core_axis_name="c", subcore_axis_name="s")
    fn = functools.partial(
        pl.kernel,
        mesh=mesh,
        out_type=jax.ShapeDtypeStruct((2, _KH, _W), jnp.float32),
        scratch_types=[
            pltpu.VMEM((2, 104), jnp.int32),
            pltpu.VMEM((2, 104, _W), jnp.float32),
            pltpu.VMEM_SHARED((_KH, _W), jnp.float32),
            pltpu.SemaphoreType.DMA,
        ],
    )(_sc_body)
    ones = jnp.ones((2, 104, _W), jnp.float32)
    zeros = jnp.zeros((_KH, _W), jnp.float32)
    cnt = fn(idx_hist.reshape(_NW * 2, 104), ones, zeros)
    return cnt[:, :_K, 0]


def _loss_body(xr_ref, x_ref, vq_ref, cnt_ref, rec_ref, tot_ref, perp_ref):
    dd = xr_ref[...] - x_ref[...]
    npix = 301056.0
    rec = jnp.full((1, 1), jnp.sum(dd * dd) / npix)
    vq = vq_ref[...]
    rec_ref[...] = rec
    tot_ref[...] = rec + vq + _BETA * vq
    counts = jnp.sum(cnt_ref[...], axis=0)
    avg = counts / float(_N)
    perp_ref[...] = jnp.full((1, 1), jnp.exp(-jnp.sum(avg * jnp.log(avg + 1e-10))))


def _losses(x_recon, x, vq, cnt):
    return pl.pallas_call(
        _loss_body,
        out_shape=[
            jax.ShapeDtypeStruct((1, 1), jnp.float32),
            jax.ShapeDtypeStruct((1, 1), jnp.float32),
            jax.ShapeDtypeStruct((1, 1), jnp.float32),
        ],
    )(x_recon, x, vq, cnt)


def kernel(x, codebook, ec1w, ec1b, ec2w, ec2b, er1w1, er1b1, er1w2, er1b2,
           er2w1, er2b1, er2w2, er2b2, dr1w1, dr1b1, dr1w2, dr1b2, dr2w1,
           dr2b1, dr2w2, dr2b2, dt1w, dt1b, dt2w, dt2b):
    z = jax.nn.relu(_conv(x, ec1w, ec1b, 2, 1))
    z = jax.nn.relu(_conv(z, ec2w, ec2b, 2, 1))
    z = _res(z, er1w1, er1b1, er1w2, er1b2)
    z_e = _res(z, er2w1, er2b1, er2w2, er2b2)
    z_e = lax.optimization_barrier(z_e)
    b, c, h, w = z_e.shape
    e_flat = z_e.transpose(0, 2, 3, 1).reshape(-1, c)

    zqt, indices, vq = _vq_core(e_flat, codebook)
    idx_hist = jnp.pad(indices, (0, _NPAD - _N), constant_values=_K)
    cnt = _sc_hist(idx_hist)

    z_q_t = zqt.reshape(b, h, w, c).transpose(0, 3, 1, 2)
    z_q_st = z_e + lax.stop_gradient(z_q_t - z_e)
    d = _res(z_q_st, dr1w1, dr1b1, dr1w2, dr1b2)
    d = _res(d, dr2w1, dr2b1, dr2w2, dr2b2)
    d = jax.nn.relu(_conv_t(d, dt1w, dt1b, 2, 1))
    x_recon = jnp.tanh(_conv_t(d, dt2w, dt2b, 2, 1))

    rec, tot, perp = _losses(x_recon, x, vq, cnt)
    return (x_recon, tot[0, 0], rec[0, 0], vq[0, 0], vq[0, 0], perp[0, 0],
            indices.reshape(b, h, w))

# --- scband reference (transcript-rebuilt; emitter-appended) ---
"""Pipeline reference for scband-vector-quantized-vae-52080773432119 (READ-ONLY COPY).

The authoritative reference and input builder live on the scoring server;
editing this copy changes nothing except your own understanding.
"""

import jax, jax.numpy as jnp
import numpy as np

Z = 64
K = 1024
B = 2
HW = 224
BETA = 0.25


def _conv2d(x, w, b, stride, pad):
    y = jax.lax.conv_general_dilated(x, w, (stride, stride), [(pad, pad), (pad, pad)], dimension_numbers=('NCHW', 'OIHW', 'NCHW'))
    return y + b[None, :, None, None]


def _conv_t2d(x, w, b, stride, pad):
    k = w.shape[2]
    wt = jnp.flip(w, (2, 3)).transpose(1, 0, 2, 3)
    y = jax.lax.conv_general_dilated(x, wt, (1, 1), [(k - 1 - pad, k - 1 - pad), (k - 1 - pad, k - 1 - pad)], lhs_dilation=(stride, stride), dimension_numbers=('NCHW', 'OIHW', 'NCHW'))
    return y + b[None, :, None, None]


def _resblock(x, w1, b1, w2, b2):
    out = jax.nn.relu(_conv2d(x, w1, b1, 1, 1))
    out = _conv2d(out, w2, b2, 1, 1)
    return jax.nn.relu(out + x)


def setup_inputs(seed: int = 0):
    key = jax.random.key(seed)
    def nrm(i, shape, scale=0.05):
        return jax.random.normal(jax.random.fold_in(key, i), shape, dtype=jnp.float32) * scale
    inp = {}
    inp['x'] = jax.random.normal(jax.random.fold_in(key, 0), (B, 3, HW, HW), dtype=jnp.float32)
    inp['codebook'] = jax.random.uniform(jax.random.fold_in(key, 1), (K, Z), minval=-1.0 / K, maxval=1.0 / K, dtype=jnp.float32)
    inp['ec1w'] = nrm(2, (Z // 2, 3, 4, 4)); inp['ec1b'] = nrm(3, (Z // 2,))
    inp['ec2w'] = nrm(4, (Z, Z // 2, 4, 4)); inp['ec2b'] = nrm(5, (Z,))
    inp['er1w1'] = nrm(6, (Z, Z, 3, 3)); inp['er1b1'] = nrm(7, (Z,))
    inp['er1w2'] = nrm(8, (Z, Z, 3, 3)); inp['er1b2'] = nrm(9, (Z,))
    inp['er2w1'] = nrm(10, (Z, Z, 3, 3)); inp['er2b1'] = nrm(11, (Z,))
    inp['er2w2'] = nrm(12, (Z, Z, 3, 3)); inp['er2b2'] = nrm(13, (Z,))
    inp['dr1w1'] = nrm(14, (Z, Z, 3, 3)); inp['dr1b1'] = nrm(15, (Z,))
    inp['dr1w2'] = nrm(16, (Z, Z, 3, 3)); inp['dr1b2'] = nrm(17, (Z,))
    inp['dr2w1'] = nrm(18, (Z, Z, 3, 3)); inp['dr2b1'] = nrm(19, (Z,))
    inp['dr2w2'] = nrm(20, (Z, Z, 3, 3)); inp['dr2b2'] = nrm(21, (Z,))
    inp['dt1w'] = nrm(22, (Z, Z // 2, 4, 4)); inp['dt1b'] = nrm(23, (Z // 2,))
    inp['dt2w'] = nrm(24, (Z // 2, 3, 4, 4)); inp['dt2b'] = nrm(25, (3,))
    return inp


def reference(x, codebook, ec1w, ec1b, ec2w, ec2b, er1w1, er1b1, er1w2, er1b2, er2w1, er2b1, er2w2, er2b2, dr1w1, dr1b1, dr1w2, dr1b2, dr2w1, dr2b1, dr2w2, dr2b2, dt1w, dt1b, dt2w, dt2b):
    z = jax.nn.relu(_conv2d(x, ec1w, ec1b, 2, 1))
    z = jax.nn.relu(_conv2d(z, ec2w, ec2b, 2, 1))
    z = _resblock(z, er1w1, er1b1, er1w2, er1b2)
    z_e = _resblock(z, er2w1, er2b1, er2w2, er2b2)
    b, c, h, w = z_e.shape
    e_flat = z_e.transpose(0, 2, 3, 1).reshape(-1, c)
    d2 = jnp.sum(e_flat ** 2, axis=1, keepdims=True) + jnp.sum(codebook ** 2, axis=1)[None, :] - 2.0 * (e_flat @ codebook.T)
    dist = jnp.sqrt(jnp.maximum(d2, 0.0))
    indices = jnp.argmin(dist, axis=1)
    q_flat = jnp.take(codebook, indices, axis=0)
    z_q = q_flat.reshape(b, h, w, c).transpose(0, 3, 1, 2)
    e_norm = e_flat / jnp.clip(jnp.linalg.norm(e_flat, axis=-1, keepdims=True), 1e-12, None)
    c_norm = q_flat / jnp.clip(jnp.linalg.norm(q_flat, axis=-1, keepdims=True), 1e-12, None)
    v = e_norm - c_norm
    v_norm = jnp.linalg.norm(v, axis=-1, keepdims=True)
    mask = (v_norm > 1e-5).astype(jnp.float32)
    v = mask * (v / (v_norm + 1e-5)) + (1.0 - mask) * v
    Hm = jnp.eye(c, dtype=jnp.float32)[None, :, :] - 2.0 * v[:, :, None] * v[:, None, :]
    z_q_t = jnp.einsum('nij,nj->ni', Hm, e_flat)
    z_q_t = z_q_t.reshape(b, h, w, c).transpose(0, 3, 1, 2)
    z_q_st = z_e + jax.lax.stop_gradient(z_q_t - z_e)
    d = _resblock(z_q_st, dr1w1, dr1b1, dr1w2, dr1b2)
    d = _resblock(d, dr2w1, dr2b1, dr2w2, dr2b2)
    d = jax.nn.relu(_conv_t2d(d, dt1w, dt1b, 2, 1))
    x_recon = jnp.tanh(_conv_t2d(d, dt2w, dt2b, 2, 1))
    rec_loss = jnp.mean((x_recon - x) ** 2)
    cb_loss = jnp.mean((jax.lax.stop_gradient(z_e) - z_q) ** 2)
    commit_loss = jnp.mean((z_e - jax.lax.stop_gradient(z_q)) ** 2)
    total = rec_loss + cb_loss + BETA * commit_loss
    counts = jnp.zeros((K,), dtype=jnp.float32).at[indices].add(1.0)
    avg = counts / indices.shape[0]
    perplexity = jnp.exp(-jnp.sum(avg * jnp.log(avg + 1e-10)))
    return (x_recon, total, rec_loss, cb_loss, commit_loss, perplexity, indices.reshape(b, h, w))

if __name__ == "__main__":
    import jax
    _d = setup_inputs()
    print(jax.jit(kernel)(*tuple(_d.values())))

</pallas_src>

<mosaic_0001>
#map = affine_map<(d0, d1) -> (0, 0)>
#map1 = affine_map<(d0, d1) -> (0, 0, 0)>
module attributes {stable_mosaic.version = 14 : i64} {
  func.func @_sc_body(%arg0: i32, %arg1: i32, %arg2: memref<64x104xi32, #tpu.memory_space<hbm>>, %arg3: memref<2x104x128xf32, #tpu.memory_space<hbm>>, %arg4: memref<1032x128xf32, #tpu.memory_space<hbm>>, %arg5: memref<2x1032x128xf32, #tpu.memory_space<hbm>>, %arg6: memref<2x104xi32, #tpu.memory_space<vmem>>, %arg7: memref<2x104x128xf32, #tpu.memory_space<vmem>>, %arg8: memref<1032x128xf32, #tpu.memory_space<vmem_shared>>, %arg9: memref<!tpu.dma_semaphore, #tpu.memory_space<semaphore_mem>>) attributes {dimension_semantics = [#tpu.dimension_semantics<core_parallel>, #tpu.dimension_semantics<subcore_parallel>], iteration_bounds = array<i64: 2, 16>, scalar_prefetch = 0 : i64, scratch_operands = 4 : i64, tpu.core_type = #tpu.core_type<sc_vector_subcore>, window_params = [{transform_indices = #map}, {transform_indices = #map1}, {transform_indices = #map}, {transform_indices = #map1}]} {
    %mul3A = arith.constant 2 : i32
    %mul3A_0 = arith.muli %arg1, %mul3A : i32
    %add3A = arith.addi %mul3A_0, %arg0 : i32
    %mul3A_1 = arith.constant 2 : i32
    %mul3A_2 = arith.muli %mul3A_1, %add3A : i32
    "tpu.region"() ({
      %run_scoped3A_14 = tpu.sem_alloc : memref<!tpu.dma_semaphore, #tpu.memory_space<semaphore_mem>>
      %dma_start3A = arith.constant 0 : i32
      %dma_start3A_15 = tpu.memref_slice %arg2[%mul3A_2, %dma_start3A] : memref<64x104xi32, #tpu.memory_space<hbm>> -> memref<2x104xi32, #tpu.memory_space<hbm>>
      %dma_start3A_16 = arith.constant 0 : i32
      %dma_start3A_17 = tpu.memref_slice %arg2[%mul3A_2, %dma_start3A_16] : memref<64x104xi32, #tpu.memory_space<hbm>> -> memref<2x104xi32, #tpu.memory_space<hbm>>
      tpu.enqueue_dma source(%dma_start3A_17 : memref<2x104xi32, #tpu.memory_space<hbm>>) target(%arg6 : memref<2x104xi32, #tpu.memory_space<vmem>>) target_semaphore(%run_scoped3A_14 : memref<!tpu.dma_semaphore, #tpu.memory_space<semaphore_mem>>)
      %dma_wait3A = arith.constant 0 : i32
      %dma_wait3A_18 = tpu.memref_slice %arg2[%mul3A_2, %dma_wait3A] : memref<64x104xi32, #tpu.memory_space<hbm>> -> memref<2x104xi32, #tpu.memory_space<hbm>>
      %dma_wait3A_19 = arith.constant 0 : i32
      %dma_wait3A_20 = tpu.memref_slice %arg2[%mul3A_2, %dma_wait3A_19] : memref<64x104xi32, #tpu.memory_space<hbm>> -> memref<2x104xi32, #tpu.memory_space<hbm>>
      tpu.wait_dma2 semaphore(%run_scoped3A_14 : memref<!tpu.dma_semaphore, #tpu.memory_space<semaphore_mem>>) src(%dma_wait3A_20 : memref<2x104xi32, #tpu.memory_space<hbm>>) dst(%arg6 : memref<2x104xi32, #tpu.memory_space<vmem>>)
      tpu.yield
    }) : () -> ()
    "tpu.region"() ({
      %run_scoped3A_14 = tpu.sem_alloc : memref<!tpu.dma_semaphore, #tpu.memory_space<semaphore_mem>>
      tpu.enqueue_dma source(%arg3 : memref<2x104x128xf32, #tpu.memory_space<hbm>>) target(%arg7 : memref<2x104x128xf32, #tpu.memory_space<vmem>>) target_semaphore(%run_scoped3A_14 : memref<!tpu.dma_semaphore, #tpu.memory_space<semaphore_mem>>)
      tpu.wait_dma2 semaphore(%run_scoped3A_14 : memref<!tpu.dma_semaphore, #tpu.memory_space<semaphore_mem>>) src(%arg3 : memref<2x104x128xf32, #tpu.memory_space<hbm>>) dst(%arg7 : memref<2x104x128xf32, #tpu.memory_space<vmem>>)
      tpu.yield
    }) : () -> ()
    %eq3A = arith.constant 0 : i32
    %eq3A_3 = arith.cmpi eq, %arg1, %eq3A : i32
    %convert_element_type3A = arith.extui %eq3A_3 : i1 to i32
    %cond3A = arith.constant 0 : i32
    %cond3A_4 = arith.cmpi ne, %convert_element_type3A, %cond3A : i32
    scf.if %cond3A_4 {
      "tpu.region"() ({
        %run_scoped3A_14 = tpu.sem_alloc : memref<!tpu.dma_semaphore, #tpu.memory_space<semaphore_mem>>
        tpu.enqueue_dma source(%arg4 : memref<1032x128xf32, #tpu.memory_space<hbm>>) target(%arg8 : memref<1032x128xf32, #tpu.memory_space<vmem_shared>>) target_semaphore(%run_scoped3A_14 : memref<!tpu.dma_semaphore, #tpu.memory_space<semaphore_mem>>)
        tpu.wait_dma2 semaphore(%run_scoped3A_14 : memref<!tpu.dma_semaphore, #tpu.memory_space<semaphore_mem>>) src(%arg4 : memref<1032x128xf32, #tpu.memory_space<hbm>>) dst(%arg8 : memref<1032x128xf32, #tpu.memory_space<vmem_shared>>)
        tpu.yield
      }) : () -> ()
    } else {
    }
    %barrier3A = arith.constant 0 : index
    tpu.barrier barrier_id(%barrier3A)
    %run_scoped3A = arith.constant 0 : i32
    %run_scoped3A_5 = arith.constant 0 : i32
    "tpu.region"() ({
      %run_scoped3A_14 = tpu.sem_alloc : memref<!tpu.dma_semaphore, #tpu.memory_space<semaphore_mem>>
      %dma_start3A = arith.constant 0 : i32
      %dma_start3A_15 = arith.constant 0 : i32
      %dma_start3A_16 = tpu.memref_slice %arg7[%run_scoped3A, %dma_start3A, %dma_start3A_15] : memref<2x104x128xf32, #tpu.memory_space<vmem>> -> memref<1x104x128xf32, #tpu.memory_space<vmem>>
      %dma_start3A_17 = tpu.memref_squeeze %dma_start3A_16 : memref<1x104x128xf32, #tpu.memory_space<vmem>> -> memref<104x128xf32, #tpu.memory_space<vmem>>
      %dma_start3A_18 = arith.constant 0 : i32
      %dma_start3A_19 = tpu.memref_slice %arg6[%run_scoped3A_5, %dma_start3A_18] : memref<2x104xi32, #tpu.memory_space<vmem>> -> memref<1x104xi32, #tpu.memory_space<vmem>>
      %dma_start3A_20 = tpu.memref_squeeze %dma_start3A_19 : memref<1x104xi32, #tpu.memory_space<vmem>> -> memref<104xi32, #tpu.memory_space<vmem>>
      %dma_start3A_21 = arith.constant 0 : i32
      %dma_start3A_22 = arith.constant 0 : i32
      %dma_start3A_23 = tpu.memref_slice %arg8[%dma_start3A_21, %dma_start3A_22] : memref<1032x128xf32, #tpu.memory_space<vmem_shared>> -> memref<1032x128xf32, #tpu.memory_space<vmem_shared>>
      tpu.enqueue_indirect_dma source(%dma_start3A_17 : memref<104x128xf32, #tpu.memory_space<vmem>>) target(%dma_start3A_23 : memref<1032x128xf32, #tpu.memory_space<vmem_shared>>) offsets(%dma_start3A_20 : memref<104xi32, #tpu.memory_space<vmem>>) semaphore(%run_scoped3A_14 : memref<!tpu.dma_semaphore, #tpu.memory_space<semaphore_mem>>) {add = true}
      %dma_wait3A = arith.constant 0 : i32
      %dma_wait3A_24 = arith.constant 0 : i32
      %dma_wait3A_25 = tpu.memref_slice %arg7[%run_scoped3A, %dma_wait3A, %dma_wait3A_24] : memref<2x104x128xf32, #tpu.memory_space<vmem>> -> memref<1x104x128xf32, #tpu.memory_space<vmem>>
      %dma_wait3A_26 = tpu.memref_squeeze %dma_wait3A_25 : memref<1x104x128xf32, #tpu.memory_space<vmem>> -> memref<104x128xf32, #tpu.memory_space<vmem>>
      %dma_wait3A_27 = arith.constant 0 : i32
      %dma_wait3A_28 = tpu.memref_slice %arg6[%run_scoped3A_5, %dma_wait3A_27] : memref<2x104xi32, #tpu.memory_space<vmem>> -> memref<1x104xi32, #tpu.memory_space<vmem>>
      %dma_wait3A_29 = tpu.memref_squeeze %dma_wait3A_28 : memref<1x104xi32, #tpu.memory_space<vmem>> -> memref<104xi32, #tpu.memory_space<vmem>>
      %dma_wait3A_30 = arith.constant 0 : i32
      %dma_wait3A_31 = arith.constant 0 : i32
      %dma_wait3A_32 = tpu.memref_slice %arg8[%dma_wait3A_30, %dma_wait3A_31] : memref<1032x128xf32, #tpu.memory_space<vmem_shared>> -> memref<1032x128xf32, #tpu.memory_space<vmem_shared>>
      tpu.wait_indirect_dma semaphore(%run_scoped3A_14 : memref<!tpu.dma_semaphore, #tpu.memory_space<semaphore_mem>>) src(%dma_wait3A_26 : memref<104x128xf32, #tpu.memory_space<vmem>>) dst(%dma_wait3A_32 : memref<1032x128xf32, #tpu.memory_space<vmem_shared>>)
      tpu.yield
    }) : () -> ()
    %run_scoped3A_6 = arith.constant 1 : i32
    %run_scoped3A_7 = arith.constant 1 : i32
    "tpu.region"() ({
      %run_scoped3A_14 = tpu.sem_alloc : memref<!tpu.dma_semaphore, #tpu.memory_space<semaphore_mem>>
      %dma_start3A = arith.constant 0 : i32
      %dma_start3A_15 = arith.constant 0 : i32
      %dma_start3A_16 = tpu.memref_slice %arg7[%run_scoped3A_6, %dma_start3A, %dma_start3A_15] : memref<2x104x128xf32, #tpu.memory_space<vmem>> -> memref<1x104x128xf32, #tpu.memory_space<vmem>>
      %dma_start3A_17 = tpu.memref_squeeze %dma_start3A_16 : memref<1x104x128xf32, #tpu.memory_space<vmem>> -> memref<104x128xf32, #tpu.memory_space<vmem>>
      %dma_start3A_18 = arith.constant 0 : i32
      %dma_start3A_19 = tpu.memref_slice %arg6[%run_scoped3A_7, %dma_start3A_18] : memref<2x104xi32, #tpu.memory_space<vmem>> -> memref<1x104xi32, #tpu.memory_space<vmem>>
      %dma_start3A_20 = tpu.memref_squeeze %dma_start3A_19 : memref<1x104xi32, #tpu.memory_space<vmem>> -> memref<104xi32, #tpu.memory_space<vmem>>
      %dma_start3A_21 = arith.constant 0 : i32
      %dma_start3A_22 = arith.constant 0 : i32
      %dma_start3A_23 = tpu.memref_slice %arg8[%dma_start3A_21, %dma_start3A_22] : memref<1032x128xf32, #tpu.memory_space<vmem_shared>> -> memref<1032x128xf32, #tpu.memory_space<vmem_shared>>
      tpu.enqueue_indirect_dma source(%dma_start3A_17 : memref<104x128xf32, #tpu.memory_space<vmem>>) target(%dma_start3A_23 : memref<1032x128xf32, #tpu.memory_space<vmem_shared>>) offsets(%dma_start3A_20 : memref<104xi32, #tpu.memory_space<vmem>>) semaphore(%run_scoped3A_14 : memref<!tpu.dma_semaphore, #tpu.memory_space<semaphore_mem>>) {add = true}
      %dma_wait3A = arith.constant 0 : i32
      %dma_wait3A_24 = arith.constant 0 : i32
      %dma_wait3A_25 = tpu.memref_slice %arg7[%run_scoped3A_6, %dma_wait3A, %dma_wait3A_24] : memref<2x104x128xf32, #tpu.memory_space<vmem>> -> memref<1x104x128xf32, #tpu.memory_space<vmem>>
      %dma_wait3A_26 = tpu.memref_squeeze %dma_wait3A_25 : memref<1x104x128xf32, #tpu.memory_space<vmem>> -> memref<104x128xf32, #tpu.memory_space<vmem>>
      %dma_wait3A_27 = arith.constant 0 : i32
      %dma_wait3A_28 = tpu.memref_slice %arg6[%run_scoped3A_7, %dma_wait3A_27] : memref<2x104xi32, #tpu.memory_space<vmem>> -> memref<1x104xi32, #tpu.memory_space<vmem>>
      %dma_wait3A_29 = tpu.memref_squeeze %dma_wait3A_28 : memref<1x104xi32, #tpu.memory_space<vmem>> -> memref<104xi32, #tpu.memory_space<vmem>>
      %dma_wait3A_30 = arith.constant 0 : i32
      %dma_wait3A_31 = arith.constant 0 : i32
      %dma_wait3A_32 = tpu.memref_slice %arg8[%dma_wait3A_30, %dma_wait3A_31] : memref<1032x128xf32, #tpu.memory_space<vmem_shared>> -> memref<1032x128xf32, #tpu.memory_space<vmem_shared>>
      tpu.wait_indirect_dma semaphore(%run_scoped3A_14 : memref<!tpu.dma_semaphore, #tpu.memory_space<semaphore_mem>>) src(%dma_wait3A_26 : memref<104x128xf32, #tpu.memory_space<vmem>>) dst(%dma_wait3A_32 : memref<1032x128xf32, #tpu.memory_space<vmem_shared>>)
      tpu.yield
    }) : () -> ()
    %barrier3A_8 = arith.constant 0 : index
    tpu.barrier barrier_id(%barrier3A_8)
    %eq3A_9 = arith.constant 0 : i32
    %eq3A_10 = arith.cmpi eq, %arg1, %eq3A_9 : i32
    %convert_element_type3A_11 = arith.extui %eq3A_10 : i1 to i32
    %cond3A_12 = arith.constant 0 : i32
    %cond3A_13 = arith.cmpi ne, %convert_element_type3A_11, %cond3A_12 : i32
    scf.if %cond3A_13 {
      "tpu.region"() ({
        %run_scoped3A_14 = tpu.sem_alloc : memref<!tpu.dma_semaphore, #tpu.memory_space<semaphore_mem>>
        %dma_start3A = arith.constant 0 : i32
        %dma_start3A_15 = arith.constant 0 : i32
        %dma_start3A_16 = tpu.memref_slice %arg5[%arg0, %dma_start3A, %dma_start3A_15] : memref<2x1032x128xf32, #tpu.memory_space<hbm>> -> memref<1x1032x128xf32, #tpu.memory_space<hbm>>
        %dma_start3A_17 = tpu.memref_squeeze %dma_start3A_16 : memref<1x1032x128xf32, #tpu.memory_space<hbm>> -> memref<1032x128xf32, #tpu.memory_space<hbm>>
        tpu.enqueue_dma source(%arg8 : memref<1032x128xf32, #tpu.memory_space<vmem_shared>>) target(%dma_start3A_17 : memref<1032x128xf32, #tpu.memory_space<hbm>>) target_semaphore(%run_scoped3A_14 : memref<!tpu.dma_semaphore, #tpu.memory_space<semaphore_mem>>)
        %dma_wait3A = arith.constant 0 : i32
        %dma_wait3A_18 = arith.constant 0 : i32
        %dma_wait3A_19 = tpu.memref_slice %arg5[%arg0, %dma_wait3A, %dma_wait3A_18] : memref<2x1032x128xf32, #tpu.memory_space<hbm>> -> memref<1x1032x128xf32, #tpu.memory_space<hbm>>
        %dma_wait3A_20 = tpu.memref_squeeze %dma_wait3A_19 : memref<1x1032x128xf32, #tpu.memory_space<hbm>> -> memref<1032x128xf32, #tpu.memory_space<hbm>>
        tpu.wait_dma2 semaphore(%run_scoped3A_14 : memref<!tpu.dma_semaphore, #tpu.memory_space<semaphore_mem>>) src(%arg8 : memref<1032x128xf32, #tpu.memory_space<vmem_shared>>) dst(%dma_wait3A_20 : memref<1032x128xf32, #tpu.memory_space<hbm>>)
        tpu.yield
      }) : () -> ()
    } else {
    }
    return
  }
}

module attributes {stable_mosaic.version = 14 : i64} {
  func.func @_vq_core_body(%arg0: i32, %arg1: memref<896x64xf32, #tpu.memory_space<vmem>>, %arg2: memref<1024x64xf32, #tpu.memory_space<vmem>>, %arg3: memref<64x1024xf32, #tpu.memory_space<vmem>>, %arg4: memref<896x64xf32, #tpu.memory_space<vmem>>, %arg5: memref<896x1xi32, #tpu.memory_space<vmem>>, %arg6: memref<1x1xf32, #tpu.memory_space<vmem>>) attributes {dimension_semantics = [#tpu.dimension_semantics<arbitrary>], iteration_bounds = array<i64: 7>, scalar_prefetch = 0 : i64, scratch_operands = 0 : i64, tpu.core_type = #tpu.core_type<tc>, window_params = [{transform_indices = @transform_0, window_bounds = array<i64: 896, 64>}, {pipeline_mode = #tpu.pipeline_mode<synchronous>, transform_indices = @transform_1, window_bounds = array<i64: 1024, 64>}, {pipeline_mode = #tpu.pipeline_mode<synchronous>, transform_indices = @transform_2, window_bounds = array<i64: 64, 1024>}, {transform_indices = @transform_3, window_bounds = array<i64: 896, 64>}, {transform_indices = @transform_4, window_bounds = array<i64: 896, 1>}, {pipeline_mode = #tpu.pipeline_mode<synchronous>, transform_indices = @transform_5, window_bounds = array<i64: 1, 1>}]} {
    %get3A = arith.constant 0 : index
    %get3A_0 = arith.constant 0 : index
    %get3A_1 = vector.load %arg1[%get3A, %get3A_0] : memref<896x64xf32, #tpu.memory_space<vmem>>, vector<896x64xf32>
    %get3A_2 = arith.constant 0 : index
    %get3A_3 = arith.constant 0 : index
    %get3A_4 = vector.load %arg2[%get3A_2, %get3A_3] : memref<1024x64xf32, #tpu.memory_space<vmem>>, vector<1024x64xf32>
    %get3A_5 = arith.constant 0 : index
    %get3A_6 = arith.constant 0 : index
    %get3A_7 = vector.load %arg3[%get3A_5, %get3A_6] : memref<64x1024xf32, #tpu.memory_space<vmem>>, vector<64x1024xf32>
    %integer_pow3A = arith.mulf %get3A_1, %get3A_1 : vector<896x64xf32>
    %reduce_sum3A = arith.constant dense<0.000000e+00> : vector<896xf32>
    %reduce_sum3A_8 = vector.multi_reduction <add>, %integer_pow3A, %reduce_sum3A [1] : vector<896x64xf32> to vector<896xf32>
    %broadcast_in_dim3A = vector.shape_cast %reduce_sum3A_8 : vector<896xf32> to vector<896x1xf32>
    %mul3A = arith.mulf %get3A_7, %get3A_7 : vector<64x1024xf32>
    %slice3A = vector.extract_strided_slice %mul3A {offsets = [0, 0], sizes = [8, 1024], strides = [1, 1]} : vector<64x1024xf32> to vector<8x1024xf32>
    %slice3A_9 = vector.extract_strided_slice %mul3A {offsets = [8, 0], sizes = [8, 1024], strides = [1, 1]} : vector<64x1024xf32> to vector<8x1024xf32>
    %add3A = arith.addf %slice3A, %slice3A_9 : vector<8x1024xf32>
    %slice3A_10 = vector.extract_strided_slice %mul3A {offsets = [16, 0], sizes = [8, 1024], strides = [1, 1]} : vector<64x1024xf32> to vector<8x1024xf32>
    %add3A_11 = arith.addf %add3A, %slice3A_10 : vector<8x1024xf32>
    %slice3A_12 = vector.extract_strided_slice %mul3A {offsets = [24, 0], sizes = [8, 1024], strides = [1, 1]} : vector<64x1024xf32> to vector<8x1024xf32>
    %add3A_13 = arith.addf %add3A_11, %slice3A_12 : vector<8x1024xf32>
    %slice3A_14 = vector.extract_strided_slice %mul3A {offsets = [32, 0], sizes = [8, 1024], strides = [1, 1]} : vector<64x1024xf32> to vector<8x1024xf32>
    %add3A_15 = arith.addf %add3A_13, %slice3A_14 : vector<8x1024xf32>
    %slice3A_16 = vector.extract_strided_slice %mul3A {offsets = [40, 0], sizes = [8, 1024], strides = [1, 1]} : vector<64x1024xf32> to vector<8x1024xf32>
    %add3A_17 = arith.addf %add3A_15, %slice3A_16 : vector<8x1024xf32>
    %slice3A_18 = vector.extract_strided_slice %mul3A {offsets = [48, 0], sizes = [8, 1024], strides = [1, 1]} : vector<64x1024xf32> to vector<8x1024xf32>
    %add3A_19 = arith.addf %add3A_17, %slice3A_18 : vector<8x1024xf32>
    %slice3A_20 = vector.extract_strided_slice %mul3A {offsets = [56, 0], sizes = [8, 1024], strides = [1, 1]} : vector<64x1024xf32> to vector<8x1024xf32>
    %add3A_21 = arith.addf %add3A_19, %slice3A_20 : vector<8x1024xf32>
    %slice3A_22 = vector.extract_strided_slice %add3A_21 {offsets = [0, 0], sizes = [4, 1024], strides = [1, 1]} : vector<8x1024xf32> to vector<4x1024xf32>
    %slice3A_23 = vector.extract_strided_slice %add3A_21 {offsets = [4, 0], sizes = [4, 1024], strides = [1, 1]} : vector<8x1024xf32> to vector<4x1024xf32>
    %add3A_24 = arith.addf %slice3A_22, %slice3A_23 : vector<4x1024xf32>
    %slice3A_25 = vector.extract_strided_slice %add3A_24 {offsets = [0, 0], sizes = [2, 1024], strides = [1, 1]} : vector<4x1024xf32> to vector<2x1024xf32>
    %slice3A_26 = vector.extract_strided_slice %add3A_24 {offsets = [2, 0], sizes = [2, 1024], strides = [1, 1]} : vector<4x1024xf32> to vector<2x1024xf32>
    %add3A_27 = arith.addf %slice3A_25, %slice3A_26 : vector<2x1024xf32>
    %slice3A_28 = vector.extract_strided_slice %add3A_27 {offsets = [0, 0], sizes = [1, 1024], strides = [1, 1]} : vector<2x1024xf32> to vector<1x1024xf32>
    %slice3A_29 = vector.extract_strided_slice %add3A_27 {offsets = [1, 0], sizes = [1, 1024], strides = [1, 1]} : vector<2x1024xf32> to vector<1x1024xf32>
    %add3A_30 = arith.addf %slice3A_28, %slice3A_29 : vector<1x1024xf32>
    %dot_general3A = arith.constant dense<0.000000e+00> : vector<896x1024xf32>
    %dot_general3A_31 = tpu.matmul %get3A_1, %get3A_4, %dot_general3A {dimension_numbers = #tpu.dot_dimension_numbers<[1], [1], [0], [0], [0, 0, 1, 0], [], []>, transpose_lhs_hint = false} : vector<896x64xf32>, vector<1024x64xf32>, vector<896x1024xf32> -> vector<896x1024xf32>
    %add3A_32 = vector.broadcast %broadcast_in_dim3A : vector<896x1xf32> to vector<896x1024xf32>
    %add3A_33 = vector.broadcast %add3A_30 : vector<1x1024xf32> to vector<896x1024xf32>
    %add3A_34 = arith.addf %add3A_32, %add3A_33 : vector<896x1024xf32>
    %mul3A_35 = arith.constant 2.000000e+00 : f32
    %mul3A_36 = vector.broadcast %mul3A_35 : f32 to vector<896x1024xf32>
    %mul3A_37 = arith.mulf %mul3A_36, %dot_general3A_31 : vector<896x1024xf32>
    %sub3A = arith.subf %add3A_34, %mul3A_37 : vector<896x1024xf32>
    %max3A = arith.constant 0.000000e+00 : f32
    %max3A_38 = vector.broadcast %max3A : f32 to vector<896x1024xf32>
    %max3A_39 = arith.maximumf %sub3A, %max3A_38 : vector<896x1024xf32>
    %sqrt3A = math.sqrt %max3A_39 : vector<896x1024xf32>
    %reduce_min3A = arith.constant dense<0x7F800000> : vector<896xf32>
    %reduce_min3A_40 = vector.multi_reduction <minimumf>, %sqrt3A, %reduce_min3A [1] : vector<896x1024xf32> to vector<896xf32>
    %broadcast_in_dim3A_41 = vector.shape_cast %reduce_min3A_40 : vector<896xf32> to vector<896x1xf32>
    %iota3A = tpu.iota {dimensions = array<i32: 1>} : vector<896x1024xi32>
    %eq3A = vector.broadcast %broadcast_in_dim3A_41 : vector<896x1xf32> to vector<896x1024xf32>
    %eq3A_42 = arith.cmpf oeq, %sqrt3A, %eq3A : vector<896x1024xf32>
    %jit3A = arith.constant 1024 : i32
    %broadcast_in_dim3A_43 = vector.broadcast %jit3A : i32 to vector<896x1024xi32>
    %select_n3A = arith.select %eq3A_42, %iota3A, %broadcast_in_dim3A_43 : vector<896x1024xi1>, vector<896x1024xi32>
    %reduce_min3A_44 = arith.constant dense<2147483647> : vector<896xi32>
    %reduce_min3A_45 = vector.multi_reduction <minsi>, %select_n3A, %reduce_min3A_44 [1] : vector<896x1024xi32> to vector<896xi32>
    %broadcast_in_dim3A_46 = vector.shape_cast %reduce_min3A_45 : vector<896xi32> to vector<896x1xi32>
    %swap3A = arith.constant 0 : index
    %swap3A_47 = arith.constant 0 : index
    %swap3A_48 = vector.load %arg5[%swap3A, %swap3A_47] : memref<896x1xi32, #tpu.memory_space<vmem>>, vector<896x1xi32>
    tpu.vector_store %arg5[%swap3A, %swap3A_47], %broadcast_in_dim3A_46 {strides = array<i32>} : memref<896x1xi32, #tpu.memory_space<vmem>>, vector<896x1xi32>,
    %eq3A_49 = vector.broadcast %broadcast_in_dim3A_46 : vector<896x1xi32> to vector<896x1024xi32>
    %eq3A_50 = arith.cmpi eq, %iota3A, %eq3A_49 : vector<896x1024xi32>
    %convert_element_type3A = arith.extui %eq3A_50 : vector<896x1024xi1> to vector<896x1024xi32>
    %convert_element_type3A_51 = arith.sitofp %convert_element_type3A : vector<896x1024xi32> to vector<896x1024xf32>
    %dot_general3A_52 = arith.constant dense<0.000000e+00> : vector<896x64xf32>
    %dot_general3A_53 = tpu.matmul %convert_element_type3A_51, %get3A_4, %dot_general3A_52 {dimension_numbers = #tpu.dot_dimension_numbers<[1], [0], [0], [1], [0, 0, 1, 1], [], []>, transpose_lhs_hint = false} : vector<896x1024xf32>, vector<1024x64xf32>, vector<896x64xf32> -> vector<896x64xf32>
    %sqrt3A_54 = math.sqrt %broadcast_in_dim3A : vector<896x1xf32>
    %mul3A_55 = arith.mulf %dot_general3A_53, %dot_general3A_53 : vector<896x64xf32>
    %reduce_sum3A_56 = arith.constant dense<0.000000e+00> : vector<896xf32>
    %reduce_sum3A_57 = vector.multi_reduction <add>, %mul3A_55, %reduce_sum3A_56 [1] : vector<896x64xf32> to vector<896xf32>
    %broadcast_in_dim3A_58 = vector.shape_cast %reduce_sum3A_57 : vector<896xf32> to vector<896x1xf32>
    %sqrt3A_59 = math.sqrt %broadcast_in_dim3A_58 : vector<896x1xf32>
    %max3A_60 = arith.constant 9.99999996E-13 : f32
    %max3A_61 = vector.broadcast %max3A_60 : f32 to vector<896x1xf32>
    %max3A_62 = arith.maximumf %sqrt3A_54, %max3A_61 : vector<896x1xf32>
    %div3A = vector.broadcast %max3A_62 : vector<896x1xf32> to vector<896x64xf32>
    %div3A_63 = arith.divf %get3A_1, %div3A : vector<896x64xf32>
    %max3A_64 = arith.constant 9.99999996E-13 : f32
    %max3A_65 = vector.broadcast %max3A_64 : f32 to vector<896x1xf32>
    %max3A_66 = arith.maximumf %sqrt3A_59, %max3A_65 : vector<896x1xf32>
    %div3A_67 = vector.broadcast %max3A_66 : vector<896x1xf32> to vector<896x64xf32>
    %div3A_68 = arith.divf %dot_general3A_53, %div3A_67 : vector<896x64xf32>
    %sub3A_69 = arith.subf %div3A_63, %div3A_68 : vector<896x64xf32>
    %mul3A_70 = arith.mulf %sub3A_69, %sub3A_69 : vector<896x64xf32>
    %reduce_sum3A_71 = arith.constant dense<0.000000e+00> : vector<896xf32>
    %reduce_sum3A_72 = vector.multi_reduction <add>, %mul3A_70, %reduce_sum3A_71 [1] : vector<896x64xf32> to vector<896xf32>
    %broadcast_in_dim3A_73 = vector.shape_cast %reduce_sum3A_72 : vector<896xf32> to vector<896x1xf32>
    %sqrt3A_74 = math.sqrt %broadcast_in_dim3A_73 : vector<896x1xf32>
    %gt3A = arith.constant 9.99999974E-6 : f32
    %gt3A_75 = vector.broadcast %gt3A : f32 to vector<896x1xf32>
    %gt3A_76 = arith.cmpf ogt, %sqrt3A_74, %gt3A_75 : vector<896x1xf32>
    %convert_element_type3A_77 = arith.extui %gt3A_76 : vector<896x1xi1> to vector<896x1xi32>
    %convert_element_type3A_78 = arith.sitofp %convert_element_type3A_77 : vector<896x1xi32> to vector<896x1xf32>
    %add3A_79 = arith.constant 9.99999974E-6 : f32
    %add3A_80 = vector.broadcast %add3A_79 : f32 to vector<896x1xf32>
    %add3A_81 = arith.addf %sqrt3A_74, %add3A_80 : vector<896x1xf32>
    %div3A_82 = vector.broadcast %add3A_81 : vector<896x1xf32> to vector<896x64xf32>
    %div3A_83 = arith.divf %sub3A_69, %div3A_82 : vector<896x64xf32>
    %mul3A_84 = vector.broadcast %convert_element_type3A_78 : vector<896x1xf32> to vector<896x64xf32>
    %mul3A_85 = arith.mulf %mul3A_84, %div3A_83 : vector<896x64xf32>
    %sub3A_86 = arith.constant 1.000000e+00 : f32
    %sub3A_87 = vector.broadcast %sub3A_86 : f32 to vector<896x1xf32>
    %sub3A_88 = arith.subf %sub3A_87, %convert_element_type3A_78 : vector<896x1xf32>
    %mul3A_89 = vector.broadcast %sub3A_88 : vector<896x1xf32> to vector<896x64xf32>
    %mul3A_90 = arith.mulf %mul3A_89, %sub3A_69 : vector<896x64xf32>
    %add3A_91 = arith.addf %mul3A_85, %mul3A_90 : vector<896x64xf32>
    %mul3A_92 = arith.constant 2.000000e+00 : f32
    %mul3A_93 = vector.broadcast %mul3A_92 : f32 to vector<896x64xf32>
    %mul3A_94 = arith.mulf %mul3A_93, %add3A_91 : vector<896x64xf32>
    %mul3A_95 = arith.mulf %add3A_91, %get3A_1 : vector<896x64xf32>
    %reduce_sum3A_96 = arith.constant dense<0.000000e+00> : vector<896xf32>
    %reduce_sum3A_97 = vector.multi_reduction <add>, %mul3A_95, %reduce_sum3A_96 [1] : vector<896x64xf32> to vector<896xf32>
    %broadcast_in_dim3A_98 = vector.shape_cast %reduce_sum3A_97 : vector<896xf32> to vector<896x1xf32>
    %mul3A_99 = vector.broadcast %broadcast_in_dim3A_98 : vector<896x1xf32> to vector<896x64xf32>
    %mul3A_100 = arith.mulf %mul3A_94, %mul3A_99 : vector<896x64xf32>
    %sub3A_101 = arith.subf %get3A_1, %mul3A_100 : vector<896x64xf32>
    %swap3A_102 = arith.constant 0 : index
    %swap3A_103 = arith.constant 0 : index
    %swap3A_104 = vector.load %arg4[%swap3A_102, %swap3A_103] : memref<896x64xf32, #tpu.memory_space<vmem>>, vector<896x64xf32>
    tpu.vector_store %arg4[%swap3A_102, %swap3A_103], %sub3A_101 {strides = array<i32>} : memref<896x64xf32, #tpu.memory_space<vmem>>, vector<896x64xf32>,
    %sub3A_105 = arith.subf %get3A_1, %dot_general3A_53 : vector<896x64xf32>
    %eq3A_106 = arith.constant 0 : i32
    %eq3A_107 = arith.cmpi eq, %arg0, %eq3A_106 : i32
    %convert_element_type3A_108 = arith.extui %eq3A_107 : i1 to i32
    %cond3A = arith.constant 0 : i32
    %cond3A_109 = arith.cmpi ne, %convert_element_type3A_108, %cond3A : i32
    scf.if %cond3A_109 {
      %broadcast_in_dim3A_124 = arith.constant 0.000000e+00 : f32
      %broadcast_in_dim3A_125 = vector.broadcast %broadcast_in_dim3A_124 : f32 to vector<1x1xf32>
      %swap3A_126 = arith.constant 0 : index
      %swap3A_127 = arith.constant 0 : index
      %swap3A_128 = vector.load %arg6[%swap3A_126, %swap3A_127] : memref<1x1xf32, #tpu.memory_space<vmem>>, vector<1x1xf32>
      tpu.vector_store %arg6[%swap3A_126, %swap3A_127], %broadcast_in_dim3A_125 {strides = array<i32>} : memref<1x1xf32, #tpu.memory_space<vmem>>, vector<1x1xf32>,
    } else {
    }
    %get3A_110 = arith.constant 0 : index
    %get3A_111 = arith.constant 0 : index
    %get3A_112 = vector.load %arg6[%get3A_110, %get3A_111] : memref<1x1xf32, #tpu.memory_space<vmem>>, vector<1x1xf32>
    %mul3A_113 = arith.mulf %sub3A_105, %sub3A_105 : vector<896x64xf32>
    %reduce_sum3A_114 = vector.shape_cast %mul3A_113 : vector<896x64xf32> to vector<1x896x64xf32>
    %reduce_sum3A_115 = arith.constant dense<0.000000e+00> : vector<1xf32>
    %reduce_sum3A_116 = vector.multi_reduction <add>, %reduce_sum3A_114, %reduce_sum3A_115 [1, 2] : vector<1x896x64xf32> to vector<1xf32>
    %reduce_sum3A_117 = vector.shape_cast %reduce_sum3A_116 : vector<1xf32> to vector<1x1x1xf32>
    %reduce_sum3A_118 = vector.extract %reduce_sum3A_117[0, 0, 0] : f32 from vector<1x1x1xf32>
    %broadcast_in_dim3A_119 = vector.broadcast %reduce_sum3A_118 : f32 to vector<1x1xf32>
    %add3A_120 = arith.addf %get3A_112, %broadcast_in_dim3A_119 : vector<1x1xf32>
    %swap3A_121 = arith.constant 0 : index
    %swap3A_122 = arith.constant 0 : index
    %swap3A_123 = vector.load %arg6[%swap3A_121, %swap3A_122] : memref<1x1xf32, #tpu.memory_space<vmem>>, vector<1x1xf32>
    tpu.vector_store %arg6[%swap3A_121, %swap3A_122], %add3A_120 {strides = array<i32>} : memref<1x1xf32, #tpu.memory_space<vmem>>, vector<1x1xf32>,
    return
  }
  func.func @transform_0(%arg0: i32) -> (i32, i32) {
    %c0_i32 = arith.constant 0 : i32
    %c0_i32_0 = arith.constant 0 : i32
    return %arg0, %c0_i32 : i32, i32
  }
  func.func @transform_1(%arg0: i32) -> (i32, i32) {
    %c0_i32 = arith.constant 0 : i32
    %c0_i32_0 = arith.constant 0 : i32
    %c0_i32_1 = arith.constant 0 : i32
    return %c0_i32, %c0_i32_0 : i32, i32
  }
  func.func @transform_2(%arg0: i32) -> (i32, i32) {
    %c0_i32 = arith.constant 0 : i32
    %c0_i32_0 = arith.constant 0 : i32
    %c0_i32_1 = arith.constant 0 : i32
    return %c0_i32, %c0_i32_0 : i32, i32
  }
  func.func @transform_3(%arg0: i32) -> (i32, i32) {
    %c0_i32 = arith.constant 0 : i32
    %c0_i32_0 = arith.constant 0 : i32
    return %arg0, %c0_i32 : i32, i32
  }
  func.func @transform_4(%arg0: i32) -> (i32, i32) {
    %c0_i32 = arith.constant 0 : i32
    %c0_i32_0 = arith.constant 0 : i32
    return %arg0, %c0_i32 : i32, i32
  }
  func.func @transform_5(%arg0: i32) -> (i32, i32) {
    %c0_i32 = arith.constant 0 : i32
    %c0_i32_0 = arith.constant 0 : i32
    %c0_i32_1 = arith.constant 0 : i32
    return %c0_i32, %c0_i32_0 : i32, i32
  }
}

module attributes {stable_mosaic.version = 14 : i64} {
  func.func @_loss_body(%arg0: memref<2x3x224x224xf32, #tpu.memory_space<vmem>>, %arg1: memref<2x3x224x224xf32, #tpu.memory_space<vmem>>, %arg2: memref<1x1xf32, #tpu.memory_space<vmem>>, %arg3: memref<2x1024xf32, #tpu.memory_space<vmem>>, %arg4: memref<1x1xf32, #tpu.memory_space<vmem>>, %arg5: memref<1x1xf32, #tpu.memory_space<vmem>>, %arg6: memref<1x1xf32, #tpu.memory_space<vmem>>) attributes {dimension_semantics = [], scalar_prefetch = 0 : i64, scratch_operands = 0 : i64, tpu.core_type = #tpu.core_type<tc>} {
    %get3A = arith.constant 0 : index
    %get3A_0 = arith.constant 0 : index
    %get3A_1 = arith.constant 0 : index
    %get3A_2 = arith.constant 0 : index
    %get3A_3 = vector.load %arg0[%get3A, %get3A_0, %get3A_1, %get3A_2] : memref<2x3x224x224xf32, #tpu.memory_space<vmem>>, vector<2x3x224x224xf32>
    %get3A_4 = arith.constant 0 : index
    %get3A_5 = arith.constant 0 : index
    %get3A_6 = arith.constant 0 : index
    %get3A_7 = arith.constant 0 : index
    %get3A_8 = vector.load %arg1[%get3A_4, %get3A_5, %get3A_6, %get3A_7] : memref<2x3x224x224xf32, #tpu.memory_space<vmem>>, vector<2x3x224x224xf32>
    %sub3A = arith.subf %get3A_3, %get3A_8 : vector<2x3x224x224xf32>
    %mul3A = arith.mulf %sub3A, %sub3A : vector<2x3x224x224xf32>
    %reduce_sum3A = vector.shape_cast %mul3A : vector<2x3x224x224xf32> to vector<1x2x3x224x224xf32>
    %reduce_sum3A_9 = arith.constant dense<0.000000e+00> : vector<1xf32>
    %reduce_sum3A_10 = vector.multi_reduction <add>, %reduce_sum3A, %reduce_sum3A_9 [1, 2, 3, 4] : vector<1x2x3x224x224xf32> to vector<1xf32>
    %reduce_sum3A_11 = vector.shape_cast %reduce_sum3A_10 : vector<1xf32> to vector<1x1x1x1x1xf32>
    %reduce_sum3A_12 = vector.extract %reduce_sum3A_11[0, 0, 0, 0, 0] : f32 from vector<1x1x1x1x1xf32>
    %div3A = arith.constant 3.010560e+05 : f32
    %div3A_13 = arith.divf %reduce_sum3A_12, %div3A : f32
    %broadcast_in_dim3A = vector.broadcast %div3A_13 : f32 to vector<1x1xf32>
    %get3A_14 = arith.constant 0 : index
    %get3A_15 = arith.constant 0 : index
    %get3A_16 = vector.load %arg2[%get3A_14, %get3A_15] : memref<1x1xf32, #tpu.memory_space<vmem>>, vector<1x1xf32>
    %swap3A = arith.constant 0 : index
    %swap3A_17 = arith.constant 0 : index
    %swap3A_18 = vector.load %arg4[%swap3A, %swap3A_17] : memref<1x1xf32, #tpu.memory_space<vmem>>, vector<1x1xf32>
    tpu.vector_store %arg4[%swap3A, %swap3A_17], %broadcast_in_dim3A {strides = array<i32>} : memref<1x1xf32, #tpu.memory_space<vmem>>, vector<1x1xf32>,
    %add3A = arith.addf %broadcast_in_dim3A, %get3A_16 : vector<1x1xf32>
    %mul3A_19 = arith.constant 2.500000e-01 : f32
    %mul3A_20 = vector.broadcast %mul3A_19 : f32 to vector<1x1xf32>
    %mul3A_21 = arith.mulf %mul3A_20, %get3A_16 : vector<1x1xf32>
    %add3A_22 = arith.addf %add3A, %mul3A_21 : vector<1x1xf32>
    %swap3A_23 = arith.constant 0 : index
    %swap3A_24 = arith.constant 0 : index
    %swap3A_25 = vector.load %arg5[%swap3A_23, %swap3A_24] : memref<1x1xf32, #tpu.memory_space<vmem>>, vector<1x1xf32>
    tpu.vector_store %arg5[%swap3A_23, %swap3A_24], %add3A_22 {strides = array<i32>} : memref<1x1xf32, #tpu.memory_space<vmem>>, vector<1x1xf32>,
    %get3A_26 = arith.constant 0 : index
    %get3A_27 = arith.constant 0 : index
    %get3A_28 = vector.load %arg3[%get3A_26, %get3A_27] : memref<2x1024xf32, #tpu.memory_space<vmem>>, vector<2x1024xf32>
    %reduce_sum3A_29 = arith.constant dense<0.000000e+00> : vector<1024xf32>
    %reduce_sum3A_30 = vector.multi_reduction <add>, %get3A_28, %reduce_sum3A_29 [0] : vector<2x1024xf32> to vector<1024xf32>
    %div3A_31 = arith.constant 6.272000e+03 : f32
    %div3A_32 = vector.broadcast %div3A_31 : f32 to vector<1024xf32>
    %div3A_33 = arith.divf %reduce_sum3A_30, %div3A_32 : vector<1024xf32>
    %add3A_34 = arith.constant 1.000000e-10 : f32
    %add3A_35 = vector.broadcast %add3A_34 : f32 to vector<1024xf32>
    %add3A_36 = arith.addf %div3A_33, %add3A_35 : vector<1024xf32>
    %log3A = math.log %add3A_36 : vector<1024xf32>
    %mul3A_37 = arith.mulf %div3A_33, %log3A : vector<1024xf32>
    %reduce_sum3A_38 = vector.shape_cast %mul3A_37 : vector<1024xf32> to vector<1x1024xf32>
    %reduce_sum3A_39 = arith.constant dense<0.000000e+00> : vector<1xf32>
    %reduce_sum3A_40 = vector.multi_reduction <add>, %reduce_sum3A_38, %reduce_sum3A_39 [1] : vector<1x1024xf32> to vector<1xf32>
    %reduce_sum3A_41 = vector.shape_cast %reduce_sum3A_40 : vector<1xf32> to vector<1x1xf32>
    %reduce_sum3A_42 = vector.extract %reduce_sum3A_41[0, 0] : f32 from vector<1x1xf32>
    %neg3A = arith.constant 0.000000e+00 : f32
    %neg3A_43 = arith.subf %neg3A, %reduce_sum3A_42 : f32
    %exp3A = math.exp %neg3A_43 : f32
    %broadcast_in_dim3A_44 = vector.broadcast %exp3A : f32 to vector<1x1xf32>
    %swap3A_45 = arith.constant 0 : index
    %swap3A_46 = arith.constant 0 : index
    %swap3A_47 = vector.load %arg6[%swap3A_45, %swap3A_46] : memref<1x1xf32, #tpu.memory_space<vmem>>, vector<1x1xf32>
    tpu.vector_store %arg6[%swap3A_45, %swap3A_46], %broadcast_in_dim3A_44 {strides = array<i32>} : memref<1x1xf32, #tpu.memory_space<vmem>>, vector<1x1xf32>,
    return
  }
}

</mosaic_0001>

<sc_bundles>
// kernel: kernel.5.cloned.1.call-start
scs
__scs_entry_jumppad:
0x0: {  	(pc) =	sbr.rel $0x88, $3  }
0x1: {  	(tag) =	ssettag $0x0;
	lr =	simm.s32 $0x1  }
0x2: {  	[smem:$0x3F87] =	sst lr;
	_ =	strace $0xD0000000  }
0x3: {  	_ = 	snop  }
0x4: {  	_ = 	snop  }
0x5: {  	_ = 	snop  }
0x6: {  	_ = 	snop  }
0x7: {  	_ = 	snop  }
__scs_overlays_trampoline_lowered:
0x8: {  	[smem:$0x3F96] =	sst s0  }
0x9: {  	[smem:$0x3F97] =	sst s1  }
0xa: {  	[smem:$0x3F98] =	sst s2  }
0xb: {  	[smem:$0x3F99] =	sst s3  }
0xc: {  	[smem:$0x3F9A] =	sst s4  }
0xd: {  	[smem:$0x3F9B] =	sst s5  }
0xe: {  	[smem:$0x3F9C] =	sst s6  }
0xf: {  	[smem:$0x3F9D] =	sst s7  }
0x10: {  	[smem:$0x3F9E] =	sst s8  }
0x11: {  	[smem:$0x3F9F] =	sst s9;
	s0 =	simm.s32 @!p0 $0x0  }
0x12: {  	s1 =	sld [smem:$0x3F85];
	s0 =	simm.s32 @p0 $0x1  }
0x13: {  	[smem:$0x3FA0] =	sst s0;
	s0 =	simm.s32 @!p1 $0x0  }
0x14: {  	s2 =	sld [smem:$0x3F84];
	s0 =	simm.s32 @p1 $0x1  }
0x15: {  	[smem:$0x3FA1] =	sst s0;
	s0 =	simm.s32 @!p2 $0x0  }
0x16: {  	s3 =	sld [smem:$0x3FDB];
	s0 =	simm.s32 @p2 $0x1  }
0x17: {  	s4 =	simm.s32 $0x1BF5;
	[smem:$0x3FA3] =	sst s0  }
0x18: {  	s0 =	sld [smem:$0x3F86];
	_ =	swait.ge [sflag:s4], $0x0  }
0x19: {  	s7 =	sld [smem:$0x3F87]  }
0x1a: {  	s8 =	sadd.s32 $0xFFFFE003, lr  }
0x1b: {  	s9 =	sadd.s32 $0xFFFFFEF7, lr;
	s5 =	simm.s32 $0xFFFFFFFF;
	p2 =	slt.u32 s8, $0xFFFFF086  }
0x1c: {  	p1 =	slt.u32 s9, $0xF7A;
	s5 =	simm.s32 @!p2 $0x0  }
0x1d: {  	s5 =	simm.s32 @p1 $0x1;
	p0 =	seq.s32 s7, s2  }
0x1e: {  	s7 =	smul.u32 @!p0 $0xF7A, s2;
	p2 =	seq.s32 @!p0 s5, $0x0  }
0x1f: {  	s9 =	smul.u32 $0xF7A, s1;
	s8 =	simm.s32 @!p0 $0x1BF5;
	p2 =	por !p2, p0  }
0x20: {  	[sflag:s8] =	ssyncset.s32 @!p0 $0xFFFFF086;
	s6 =	sadd.s32 @!p0 s3, s7;
	s7 =	simm.s32 @!p0 $0x108  }
0x21: {  	s3 =	sadd.s32 s3, s9;
	s6 =	sadd.s32 @!p0 $0x88, s6;
	s7 =	simm.s32 @p2 $0x1082  }
0x22: {  	[simem:s7], [sflag:s8] =	dma.local @!p0 [hbm:s6], $0xF7A  }
0x23: {  	s9 =	sor.u32 $0xD0000000, s2;
	s6 =	simm.s32 $0x108;
	_ =	swait.ge @!p0 [sflag:s8], $0x0  }
0x24: {  	s3 =	sadd.s32 $0x88, s3;
	s6 =	simm.s32 @!p1 $0x1082;
	[sflag:s4] =	ssyncset.s32 $0xFFFFF086  }
0x25: {  	[simem:s6], [sflag:s4] =	dma.local [hbm:s3], $0xF7A  }
0x26: {  	[smem:$0x3F87] =	sst s1;
	(tag) =	ssettag s2;
	_ =	strace s9  }
0x27: {  	s1 =	sld [smem:$0x3F97]  }
0x28: {  	s2 =	sld [smem:$0x3F98]  }
0x29: {  	s4 =	sld [smem:$0x3F9A]  }
0x2a: {  	p0 =	seq.s32 s5, $0x0;
	s5 =	sld [smem:$0x3F9B]  }
0x2b: {  	s6 =	sld [smem:$0x3F9C]  }
0x2c: {  	s7 =	sld [smem:$0x3F9D]  }
0x2d: {  	s3 =	simm.s32 $0x108;
	s8 =	sld [smem:$0x3F9E]  }
0x2e: {  	s3 =	simm.s32 @!p0 $0x1082;
	s9 =	sld [smem:$0x3F9F]  }
0x2f: {  	lr =	sadd.s32 s0, s3;
	s0 =	sld [smem:$0x3F96]  }
0x30: {  	s3 =	sld [smem:$0x3F99]  }
0x31: {  	[smem:$0x3FA2] =	sst s10  }
0x32: {  	s10 =	sld [smem:$0x3FA0];
	_ =	sdelay $0x3  }
0x33: {  	p0 =	seq.s32 s10, $0x1;
	s10 =	sld [smem:$0x3FA2];
	_ =	sdelay $0x3  }
0x34: {  	[smem:$0x3FA2] =	sst s10  }
0x35: {  	s10 =	sld [smem:$0x3FA1];
	_ =	sdelay $0x3  }
0x36: {  	p1 =	seq.s32 s10, $0x1;
	s10 =	sld [smem:$0x3FA2];
	_ =	sdelay $0x3  }
0x37: {  	[smem:$0x3FA2] =	sst s10  }
0x38: {  	s10 =	sld [smem:$0x3FA3]  }
0x39: {  	_ = 	snop;
	(pc) =	sbr.ind lr, $3  }
0x3a: {  	_ = 	snop  }
0x3b: {  	_ = 	snop  }
0x3c: {  	p2 =	seq.s32 s10, $0x1;
	s10 =	sld [smem:$0x3FA2]  }
0x3d: {  	_ =	shalt  }
0x3e: {  	_ =	shalt  }
0x3f: {  	_ =	shalt  }
0x40: {  	_ =	shalt  }
0x41: {  	_ =	shalt  }
0x42: {  	_ =	shalt  }
0x43: {  	_ =	shalt  }
0x44: {  	_ =	shalt  }
0x45: {  	_ =	shalt  }
0x46: {  	_ =	shalt  }
0x47: {  	_ =	shalt  }
0x48: {  	_ =	shalt  }
0x49: {  	_ =	shalt  }
0x4a: {  	_ =	shalt  }
0x4b: {  	_ =	shalt  }
0x4c: {  	_ =	shalt  }
0x4d: {  	_ =	shalt  }
0x4e: {  	_ =	shalt  }
0x4f: {  	_ =	shalt  }
0x50: {  	_ =	shalt  }
0x51: {  	_ =	shalt  }
0x52: {  	_ =	shalt  }
0x53: {  	_ =	shalt  }
0x54: {  	_ =	shalt  }
0x55: {  	_ =	shalt  }
0x56: {  	_ =	shalt  }
0x57: {  	_ =	shalt  }
0x58: {  	_ =	shalt  }
0x59: {  	_ =	shalt  }
0x5a: {  	_ =	shalt  }
0x5b: {  	_ =	shalt  }
0x5c: {  	_ =	shalt  }
0x5d: {  	_ =	shalt  }
0x5e: {  	_ =	shalt  }
0x5f: {  	_ =	shalt  }
0x60: {  	_ =	shalt  }
0x61: {  	_ =	shalt  }
0x62: {  	_ =	shalt  }
0x63: {  	_ =	shalt  }
0x64: {  	_ =	shalt  }
0x65: {  	_ =	shalt  }
0x66: {  	_ =	shalt  }
0x67: {  	_ =	shalt  }
0x68: {  	_ =	shalt  }
0x69: {  	_ =	shalt  }
0x6a: {  	_ =	shalt  }
0x6b: {  	_ =	shalt  }
0x6c: {  	_ =	shalt  }
0x6d: {  	_ =	shalt  }
0x6e: {  	_ =	shalt  }
0x6f: {  	_ =	shalt  }
0x70: {  	_ =	shalt  }
0x71: {  	_ =	shalt  }
0x72: {  	_ =	shalt  }
0x73: {  	_ =	shalt  }
0x74: {  	_ =	shalt  }
0x75: {  	_ =	shalt  }
0x76: {  	_ =	shalt  }
0x77: {  	_ =	shalt  }
0x78: {  	_ =	shalt  }
0x79: {  	_ =	shalt  }
0x7a: {  	_ =	shalt  }
0x7b: {  	_ =	shalt  }
0x7c: {  	_ =	shalt  }
0x7d: {  	_ =	shalt  }
0x7e: {  	_ =	shalt  }
0x7f: {  	_ =	shalt  }
0x80: {  	_ =	shalt  }
0x81: {  	_ =	shalt  }
0x82: {  	_ =	shalt  }
0x83: {  	_ =	shalt  }
0x84: {  	_ =	shalt  }
0x85: {  	_ =	shalt  }
0x86: {  	_ =	shalt  }
0x87: {  	_ =	shalt  }
.Lfunc_end0:
.L_simem_size_0:
called_computation_lowered:
.L_overlay_start_0:
0x88: {  	s2 =	sld [smem:$0x3FD9]  }
0x89: {  	s3 =	sld [smem:$0x3FFE];
	_ =	sdelay $0x1  }
0x8a: {  	s1 =	srdreg.scid  }
0x8b: {  	s0 =	sand.u32 $0x1, s1  }
0x8c: {  	s16 =	sshll.u32 s0, $0xA;
	s2 =	sadd.s32 s3, s2  }
0x8d: {  	s2 =	sadd.s32 s2, s16  }
0x8e: {  	[smem:$0x3FAE] =	sst s2  }
0x8f: {  	_ = 	snop  }
0x90: {  	(tm) =	ssettm $0x1  }
0x91: {  	s17 =	sld [smem:$0x3FFB];
	_ =	sdelay $0x3  }
0x92: {  	_ =	strace s17  }
0x93: {  	s2 =	sld [smem:$0x3FFC];
	_ =	sdelay $0x3  }
0x94: {  	_ =	strace s2  }
0x95: {  	s2 =	sld [smem:$0x3FFD];
	_ =	sdelay $0x3  }
0x96: {  	_ =	strace s2  }
0x97: {  	_ =	strace $0x8FFFFFFF  }
0x98: {  	s18 =	sld [smem:$0x3FDB];
	_ =	sdelay $0x1  }
0x99: {  	s19 =	simm.s32 $_scs_section_size  }
0x9a: {  	s4 =	simm.s32 $_size__tile_overlayer_lowered;
	s5 =	simm.s32 $_tile_overlayer_lowered  }
0x9b: {  	s22 =	simm.s32 $0x1BFF;
	s21 =	sshll.u32 s5, $0x1;
	s2 =	sadd.s32 s19, s18  }
0x9c: {  	s6 =	simm.s32 $0x0;
	s20 =	sshll.u32 s4, $0x1;
	s4 =	sadd.s32 s21, s2  }
0x9d: {  	[timem:s6], [sflag:s22] =	dma.local [hbm:s4], s20  }
0x9e: {  	_ =	swait.ge [sflag:s22], s20  }
0x9f: {  	s3 =	ssub.s32 $0x0, s20;
	[sflag:s22] =	ssyncset.done $0x0  }
0xa0: {  	[sflag:s22] =	ssyncadd.s32 s3;
	_ =	sdelay $0x1  }
0xa1: {  	s23 =	simm.s32 $0x1B8B  }
0xa2: {  	_ =	swait.ge [sflag:s23], $0x1  }
0xa3: {  	[sflag:s23] =	ssyncset.done $0x0  }
0xa4: {  	s25 =	simm.s32 $0x1B8E;
	s24 =	sld [smem:$0x3FFE];
	[sflag:s23] =	ssyncadd.s32 $0xFFFFFFFF  }
0xa5: {  	s26 =	simm.s32 $execute0_lowered;
	[smem:$0x3FD2] =	sst s25  }
0xa6: {  	s4 =	sshll.u32 s26, $0x1;
	_ =	strace $0x80000046;
	[dreg:$0x1] =	wrdreg $0xFFFFFFFF  }
0xa7: {  	s28 =	simm.s32 $_size_execute0_lowered;
	s2 =	sadd.s32 s2, s4;
	[dreg:$0x0] =	wrdreg $0x0  }
0xa8: {  	s4 =	sshll.u32 s28, $0x1;
	[dreg:$0x2] =	wrdreg s2  }
0xa9: {  	[dreg:$0x3] =	wrdreg s4  }
0xaa: {  	[dreg:$0x4] =	wrdreg $0xC0  }
0xab: {  	_ =	task [dreg:s6], $0x5FFFF  }
0xac: {  	[dreg:$0x1] =	wrdreg $0xFFFFFFFF  }
0xad: {  	[dreg:$0x0] =	wrdreg $0x60  }
0xae: {  	[dreg:$0x2] =	wrdreg s24  }
0xaf: {  	[dreg:$0x3] =	wrdreg $0x69000  }
0xb0: {  	[dreg:$0x4] =	wrdreg $0x9  }
0xb1: {  	_ =	task.clear_ibuf [dreg:s6], $0x5FFFF;
	_ =	strace $0x90000046  }
0xb2: {  	s29 =	simm.s32 $0x9;
	_ =	strace $0x80000048  }
0xb3: {  	_ =	swait.ge [sflag:s29], $0x1  }
0xb4: {  	[sflag:s29] =	ssyncadd.s32 $0xFFFFFFFF  }
0xb5: {  	_ =	strace $0x90000048  }
0xb6: {  	_ =	sfence  }
0xb7: {  	s30 =	sld [smem:$0x0];
	_ =	sdelay $0x2  }
0xb8: {  	s31 =	sshll.u32 s1, $0xD;
	s1 =	sshrl.u32 s1, $0x2  }
0xb9: {  	s3 =	sand.u32 $0x4000, s31;
	s1 =	sadd.s32 s1, s30  }
0xba: {  	s0 =	sor.u32 s3, s0;
	s1 =	sshll.u32 s1, $0x11  }
0xbb: {  	s0 =	sor.u32 s1, s0  }
0xbc: {  	s0 =	sadd.s32 $0x8F2B, s0  }
0xbd: {  	[sflag:s0] =	ssyncadd.remote.s32 $0x1  }
0xbe: {  	_ =	sfence.sel $0xFFFF  }
0xbf: {  	[dreg:$0x0] =	wrdreg $0xFFFFFFFF;
	(pc) =	sbr.abs _section_cstart, $3  }
0xc0: {  	[dreg:$0x1] =	wrdreg $0xFFFFFFFF  }
0xc1: {  	_ =	task.clear_ibuf [dreg:s6], $0x2FFFF;
	_ =	strace $0x9FFFFFFF  }
0xc2: {  	(tm) =	ssettm $0x7FFFFFFF  }
0xc3: {  	_ =	shalt  }
tec
execute0_lowered:
.L_overlay_start_1:
0x0: {  	(tag) =	ssettag $0x1  }
0x1: {  	s22 =	rddreg [dreg:$0x0];
	s0 =	srdreg.scid  }
0x2: {  	s1 =	rddreg [dreg:$0x1];
	s23 =	sand.u32 $0x1, s0  }
0x3: {  	s7 =	stileid.u32;
	s2 =	simm.s32 $0x0;
	s3 =	sshll.u32 s23, $0x5  }
0x4: {  	s0 =	rddreg [dreg:$0x2];
	s4 =	sshll.u32 s7, $0x6;
	s3 =	sadd.s32 s3, s22  }
0x5: {  	[smem:$0x7FF] =	sst s2;
	s3 =	sadd.s32 s4, s3  }
0x6: {  	_ =	strace $0x80000047;
	s4 =	simm.s32 $0x1;
	s3 =	sadd.s32 $0x4200, s3  }
0x7: {  	[tilespmem:s2], [sflag:$0x1] =	stream.linear.gather [hbm4b:s3+s2], $0x100, $0x38;
	[tilespmem:$0x8940] =	vst v63  }
0x8: {  	_ =	swait.ge [sflag:s4], $0x100  }
0x9: {  	[sflag:s4] =	ssyncset.done $0x0  }
0xa: {  	s6 =	simm.s32 $0x100;
	s5 =	sadd.s32 $0x4600, s22;
	[sflag:s4] =	ssyncadd.s32 $0xFFFFFF00  }
0xb: {  	[tilespmem:s6], [sflag:$0x1] =	stream.linear.gather [hbm4b:s5+s2], $0x6800, $0x38;
	[tilespmem:$0x8940] =	vst v63  }
0xc: {  	_ =	swait.ge [sflag:s4], $0x6800  }
0xd: {  	p0 =	sne.s32 s7, $0x0;
	[sflag:s4] =	ssyncset.done $0x0  }
0xe: {  	s7 =	simm.s32 @p0 $0x100;
	s8 =	simm.s32 @p0 $0x1;
	[sflag:s4] =	ssyncadd.s32 $0xFFFF9800  }
0xf: {  	s9 =	simm.s32 @p0 $0x68;
	s10 =	simm.s32 @p0 $0x0;
	[bflag:$0x0] =	sbarrier.arrive @p0 $0xFFFF  }
0x10: {  	[spmem:s1] =	stream.indirect.scatter.add.f32 @p0 [tilespmem:s7], [sflag:$0x1], $0x80, s10, s9, $0xb8;
	[tilespmem:$0x8940] =	vst v63  }
0x11: {  	_ =	swait.ge @p0 [sflag:s8], $0x3400  }
0x12: {  	[sflag:s8] =	ssyncset.done @p0 $0x0  }
0x13: {  	s11 =	simm.s32 @p0 $0x80;
	s12 =	simm.s32 @p0 $0x3500;
	[sflag:s8] =	ssyncadd.s32 @p0 $0xFFFFCC00  }
0x14: {  	[spmem:s1] =	stream.indirect.scatter.add.f32 @p0 [tilespmem:s12], [sflag:$0x1], $0x80, s11, s9, $0xb8;
	[tilespmem:$0x8940] =	vst v63  }
0x15: {  	_ =	swait.ge @p0 [sflag:s8], $0x3400  }
0x16: {  	[sflag:s8] =	ssyncset.done @p0 $0x0  }
0x17: {  	s13 =	sadd.s32 $0x5400, s22;
	s15 =	sshrl.u32 @!p0 s1, $0x3;
	[sflag:s8] =	ssyncadd.s32 @p0 $0xFFFFCC00  }
0x18: {  	s16 =	simm.s32 @!p0 $0x1C01;
	s14 =	simm.s32 @!p0 $0x1;
	[bflag:$0x0] =	sbarrier.arrive @p0 $0xFFFF  }
0x19: {  	[spmem:s15], [sflag:s16] =	dma.local @!p0 [hbm:s13], $0x4080  }
0x1a: {  	_ =	swait.ge @!p0 [sflag:s14], $0x4080  }
0x1b: {  	[sflag:s14] =	ssyncset.done @!p0 $0x0  }
0x1c: {  	s17 =	simm.s32 @!p0 $0x100;
	s18 =	simm.s32 @!p0 $0x68;
	[sflag:s14] =	ssyncadd.s32 @!p0 $0xFFFFBF80  }
0x1d: {  	s19 =	simm.s32 @!p0 $0x0;
	s24 =	ssub.s32 $0x2, s23;
	[bflag:$0x0] =	sbarrier.arrive @!p0 $0xFFFF  }
0x1e: {  	[spmem:s1] =	stream.indirect.scatter.add.f32 @!p0 [tilespmem:s17], [sflag:$0x1], $0x80, s19, s18, $0xb8;
	[tilespmem:$0x8940] =	vst v63  }
0x1f: {  	s20 =	simm.s32 @!p0 $0x80;
	s25 =	sshrl.u32 s24, $0x1;
	_ =	swait.ge @!p0 [sflag:s14], $0x3400  }
0x20: {  	s21 =	simm.s32 @!p0 $0x3500;
	s24 =	ssub.s32 s24, s25;
	[sflag:s14] =	ssyncset.done @!p0 $0x0  }
0x21: {  	s23 =	smul.u32 $0x4080, s23;
	s31 =	smax.u32 s24, $0x1;
	[sflag:s14] =	ssyncadd.s32 @!p0 $0xFFFFCC00  }
0x22: {  	[spmem:s1] =	stream.indirect.scatter.add.f32 @!p0 [tilespmem:s21], [sflag:$0x1], $0x80, s20, s18, $0xb8;
	[tilespmem:$0x8940] =	vst v63  }
0x23: {  	s22 =	sadd.s32 s23, s22;
	s23 =	sadd.s32 $0xFFFFFFFF, s31;
	_ =	swait.ge @!p0 [sflag:s14], $0x3400  }
0x24: {  	p1 =	sne.s32 s23, $0x0;
	[sflag:s14] =	ssyncset.done @!p0 $0x0  }
.Ltmp0:
0x25: {  	[sflag:s14] =	ssyncadd.s32 @!p0 $0xFFFFCC00;
	(pc) =	sbr.rel @!p1 .LBB2_2-.Ltmp0, $4  }
0x26: {  	s22 =	sadd.s32 $0x9600, s22;
	[bflag:$0x0] =	sbarrier.arrive @!p0 $0xFFFF  }
0x27: {  	[hbm:s22], [sflag:s16] =	dma.local @!p0 [spmem:s15], $0x4080  }
0x28: {  	_ =	swait.ge @!p0 [sflag:s14], $0x4080  }
0x29: {  	[sflag:s14] =	ssyncset.done @!p0 $0x0  }
.LBB2_1:
0x2a: {  	s23 =	sadd.s32 $0xFFFFFFFF, s23;
	[sflag:s14] =	ssyncadd.s32 @!p0 $0xFFFFBF80  }
0x2b: {  	[tilespmem:s2], [sflag:$0x1] =	stream.linear.gather [hbm4b:s3+s2], $0x100, $0x38;
	[tilespmem:$0x8940] =	vst v63  }
0x2c: {  	p1 =	sne.s32 s23, $0x0;
	_ =	swait.ge [sflag:s4], $0x100  }
0x2d: {  	[sflag:s4] =	ssyncset.done $0x0  }
0x2e: {  	[sflag:s4] =	ssyncadd.s32 $0xFFFFFF00  }
0x2f: {  	[tilespmem:s6], [sflag:$0x1] =	stream.linear.gather [hbm4b:s5+s2], $0x6800, $0x38;
	[tilespmem:$0x8940] =	vst v63  }
0x30: {  	_ =	swait.ge [sflag:s4], $0x6800  }
0x31: {  	[sflag:s4] =	ssyncset.done $0x0  }
0x32: {  	[sflag:s4] =	ssyncadd.s32 $0xFFFF9800  }
0x33: {  	[bflag:$0x0] =	sbarrier.arrive @p0 $0xFFFF  }
0x34: {  	[spmem:s1] =	stream.indirect.scatter.add.f32 @p0 [tilespmem:s7], [sflag:$0x1], $0x80, s10, s9, $0xb8;
	[tilespmem:$0x8940] =	vst v63  }
0x35: {  	_ =	swait.ge @p0 [sflag:s8], $0x3400  }
0x36: {  	[sflag:s8] =	ssyncset.done @p0 $0x0  }
0x37: {  	[sflag:s8] =	ssyncadd.s32 @p0 $0xFFFFCC00  }
0x38: {  	[spmem:s1] =	stream.indirect.scatter.add.f32 @p0 [tilespmem:s12], [sflag:$0x1], $0x80, s11, s9, $0xb8;
	[tilespmem:$0x8940] =	vst v63  }
0x39: {  	_ =	swait.ge @p0 [sflag:s8], $0x3400  }
0x3a: {  	[sflag:s8] =	ssyncset.done @p0 $0x0  }
0x3b: {  	[sflag:s8] =	ssyncadd.s32 @p0 $0xFFFFCC00  }
0x3c: {  	[bflag:$0x0] =	sbarrier.arrive @p0 $0xFFFF  }
0x3d: {  	[spmem:s15], [sflag:s16] =	dma.local @!p0 [hbm:s13], $0x4080  }
0x3e: {  	_ =	swait.ge @!p0 [sflag:s14], $0x4080  }
0x3f: {  	[sflag:s14] =	ssyncset.done @!p0 $0x0  }
0x40: {  	[sflag:s14] =	ssyncadd.s32 @!p0 $0xFFFFBF80  }
0x41: {  	[bflag:$0x0] =	sbarrier.arrive @!p0 $0xFFFF  }
0x42: {  	[spmem:s1] =	stream.indirect.scatter.add.f32 @!p0 [tilespmem:s17], [sflag:$0x1], $0x80, s19, s18, $0xb8;
	[tilespmem:$0x8940] =	vst v63  }
0x43: {  	_ =	swait.ge @!p0 [sflag:s14], $0x3400  }
0x44: {  	[sflag:s14] =	ssyncset.done @!p0 $0x0  }
0x45: {  	[sflag:s14] =	ssyncadd.s32 @!p0 $0xFFFFCC00  }
0x46: {  	[spmem:s1] =	stream.indirect.scatter.add.f32 @!p0 [tilespmem:s21], [sflag:$0x1], $0x80, s20, s18, $0xb8;
	[tilespmem:$0x8940] =	vst v63  }
0x47: {  	_ =	swait.ge @!p0 [sflag:s14], $0x3400  }
0x48: {  	[sflag:s14] =	ssyncset.done @!p0 $0x0  }
.Ltmp1:
0x49: {  	[sflag:s14] =	ssyncadd.s32 @!p0 $0xFFFFCC00;
	(pc) =	sbr.rel @p1 .LBB2_1-.Ltmp1, $4  }
0x4a: {  	[bflag:$0x0] =	sbarrier.arrive @!p0 $0xFFFF  }
0x4b: {  	[hbm:s22], [sflag:s16] =	dma.local @!p0 [spmem:s15], $0x4080  }
0x4c: {  	_ =	swait.ge @!p0 [sflag:s14], $0x4080  }
0x4d: {  	[sflag:s14] =	ssyncset.done @!p0 $0x0  }
.LBB2_2:
0x4e: {  	[sflag:s14] =	ssyncadd.s32 @!p0 $0xFFFFBF80  }
0x4f: {  	_ =	sfence.sel $0x180000  }
0x50: {  	[bflag:$0x0] =	sbarrier.arrive $0xFFFF  }
0x51: {  	_ =	strace $0x90000047  }
0x52: {  	s0 =	sadd.s32 @!p0 $0x100000, s0;
	[bflag:$0x2] =	sbarrier.arrive $0xFFFF  }
0x53: {  	[sflag:s0] =	ssyncadd.tile.s32 @!p0 $0x1;
	_ =	shalt  }
.Lfunc_end2:
_tile_overlayer_lowered:
.L_overlay_start_2:
0x54: {  	(tag) =	ssettag $0x2  }
0x55: {  	s0 =	rddreg [dreg:$0x0];
	s2 =	stileid.u32  }
0x56: {  	s1 =	rddreg [dreg:$0x1];
	p0 =	sne.s32 s2, $0x0  }
0x57: {  	s3 =	rddreg [dreg:$0x2];
	[bflag:$0x3] =	sbarrier.arrive $0xFFFF;
	s2 =	simm.s32 @!p0 $0x1C01  }
0x58: {  	[timem:s3], [sflag:s2] =	dma.local @!p0 [hbm:s0], s1  }
0x59: {  	s0 =	simm.s32 @!p0 $0x1  }
0x5a: {  	_ =	swait.ge @!p0 [sflag:s0], s1  }
0x5b: {  	s1 =	ssub.s32 @!p0 $0x0, s1;
	[sflag:s0] =	ssyncset.done @!p0 $0x0  }
0x5c: {  	[sflag:s0] =	ssyncadd.s32 @!p0 s1  }
0x5d: {  	[bflag:$0x3] =	sbarrier.arrive $0xFFFF  }
0x5e: {  	_ =	shalt  }

</sc_bundles>
